<compile_context>
chip_gen: v7x
topology: tpu7x:2x2x1
jax: 0.10.2.dev20260603
libtpu: 0.0.44.dev20260713+nightly
codegen_flags: <defaults>
</compile_context>

<pallas_src>
import functools

import jax
import jax.numpy as jnp
from jax import lax
from jax.experimental import pallas as pl
from jax.experimental.pallas import tpu as pltpu
from jax.experimental.pallas import tpu_sc as plsc


def _make_gather(batch, seq, vocab, embed_dim):
    n_tokens = batch * seq
    info = plsc.get_sparse_core_info()
    num_workers = info.num_cores * info.num_subcores
    n_per_w = n_tokens // num_workers
    w_per_b = seq // n_per_w
    chunk = 32
    nbuf = 5
    n_chunks = n_per_w // chunk
    mesh = plsc.VectorSubcoreMesh(core_axis_name="c", subcore_axis_name="s")

    @functools.partial(
        pl.kernel,
        mesh=mesh,
        out_type=jax.ShapeDtypeStruct((n_tokens, embed_dim), jnp.float32),
        scratch_types=[
            pltpu.VMEM((n_per_w,), jnp.int32),
            pltpu.VMEM((nbuf, chunk, embed_dim), jnp.float32),
            pltpu.SemaphoreType.DMA((nbuf,)),
            pltpu.SemaphoreType.DMA((nbuf,)),
        ],
    )
    def gather_kernel(ids_hbm, table_hbm, out_hbm, idx_v, rows_v, gsem, wsem):
        wid = lax.axis_index("s") * info.num_cores + lax.axis_index("c")
        base = wid * n_per_w
        pltpu.sync_copy(
            ids_hbm.at[wid // w_per_b, pl.ds((wid % w_per_b) * n_per_w, n_per_w)],
            idx_v,
        )

        def gather(j):
            slot = j % nbuf
            return pltpu.async_copy(
                table_hbm.at[idx_v.at[pl.ds(j * chunk, chunk)]],
                rows_v.at[slot],
                gsem.at[slot],
            )

        def write(j):
            slot = j % nbuf
            return pltpu.async_copy(
                rows_v.at[slot],
                out_hbm.at[pl.ds(base + j * chunk, chunk)],
                wsem.at[slot],
            )

        def prologue(j, carry):
            slot = lax.rem(j, nbuf)
            row = pl.multiple_of(j * chunk, chunk)
            pltpu.async_copy(
                table_hbm.at[idx_v.at[pl.ds(row, chunk)]],
                rows_v.at[slot],
                gsem.at[slot],
            )
            return carry

        lax.fori_loop(0, nbuf, prologue, 0)

        def body(j, carry):
            slot = lax.rem(j, nbuf)
            row = pl.multiple_of(j * chunk, chunk)
            pltpu.make_async_copy(
                table_hbm.at[idx_v.at[pl.ds(row, chunk)]],
                rows_v.at[slot],
                gsem.at[slot],
            ).wait()
            pltpu.async_copy(
                rows_v.at[slot],
                out_hbm.at[pl.ds(base + row, chunk)],
                wsem.at[slot],
            ).wait()
            nrow = pl.multiple_of((j + nbuf) * chunk, chunk)
            pltpu.async_copy(
                table_hbm.at[idx_v.at[pl.ds(nrow, chunk)]],
                rows_v.at[slot],
                gsem.at[slot],
            )
            return carry

        lax.fori_loop(0, n_chunks - nbuf, body, 0)

        def epilogue(j, carry):
            slot = lax.rem(j, nbuf)
            row = pl.multiple_of(j * chunk, chunk)
            pltpu.make_async_copy(
                table_hbm.at[idx_v.at[pl.ds(row, chunk)]],
                rows_v.at[slot],
                gsem.at[slot],
            ).wait()
            pltpu.async_copy(
                rows_v.at[slot],
                out_hbm.at[pl.ds(base + row, chunk)],
                wsem.at[slot],
            ).wait()
            return carry

        lax.fori_loop(n_chunks - nbuf, n_chunks, epilogue, 0)

    return gather_kernel


def kernel(input_ids, table):
    batch, seq = input_ids.shape
    vocab, embed_dim = table.shape
    out = _make_gather(batch, seq, vocab, embed_dim)(input_ids, table)
    return out.reshape(batch, seq, embed_dim)

# --- scband reference (transcript-rebuilt; emitter-appended) ---
"""Pipeline reference for scband-prompt-wrapper-73864847556960 (READ-ONLY COPY).

The authoritative reference and input builder live on the scoring server;
editing this copy changes nothing except your own understanding.
"""

import jax, jax.numpy as jnp
import numpy as np

VOCAB = 100000
EMBED_DIM = 768
BATCH = 4
SEQ = 8192


def setup_inputs(seed: int = 0) -> dict:
    key = jax.random.key(seed)
    k_idx, k_tab = jax.random.split(key)
    input_ids = jax.random.randint(k_idx, (BATCH, SEQ), 0, VOCAB, dtype=jnp.int32)
    table = jax.random.normal(k_tab, (VOCAB, EMBED_DIM), dtype=jnp.float32)
    return {"input_ids": input_ids, "table": table}


def reference(input_ids, table):
    # nn.Embedding lookup: gather rows of the table by token id.
    # input_ids is already 2D, so the dim==1 unsqueeze branch is a no-op.
    return jnp.take(table, input_ids, axis=0)

if __name__ == "__main__":
    import jax
    _d = setup_inputs()
    print(jax.jit(kernel)(*tuple(_d.values())))

</pallas_src>

<mosaic_0001>
#map = affine_map<(d0, d1) -> (0, 0)>
module attributes {stable_mosaic.version = 14 : i64} {
  func.func @gather_kernel(%arg0: i32, %arg1: i32, %arg2: memref<4x8192xi32, #tpu.memory_space<hbm>>, %arg3: memref<100000x768xf32, #tpu.memory_space<hbm>>, %arg4: memref<32768x768xf32, #tpu.memory_space<hbm>>, %arg5: memref<1024xi32, #tpu.memory_space<vmem>>, %arg6: memref<5x32x768xf32, #tpu.memory_space<vmem>>, %arg7: memref<5x!tpu.dma_semaphore, #tpu.memory_space<semaphore_mem>>, %arg8: memref<5x!tpu.dma_semaphore, #tpu.memory_space<semaphore_mem>>) attributes {dimension_semantics = [#tpu.dimension_semantics<core_parallel>, #tpu.dimension_semantics<subcore_parallel>], iteration_bounds = array<i64: 2, 16>, scalar_prefetch = 0 : i64, scratch_operands = 4 : i64, tpu.core_type = #tpu.core_type<sc_vector_subcore>, window_params = [{transform_indices = #map}, {transform_indices = #map}, {transform_indices = #map}]} {
    %mul3A = arith.constant 2 : i32
    %mul3A_0 = arith.muli %arg1, %mul3A : i32
    %add3A = arith.addi %mul3A_0, %arg0 : i32
    %mul3A_1 = arith.constant 1024 : i32
    %mul3A_2 = arith.muli %add3A, %mul3A_1 : i32
    %jit3A = arith.constant 8 : i32
    %div3A = arith.divsi %add3A, %jit3A : i32
    %sign3A = arith.constant 0 : i32
    %sign3A_3 = arith.cmpi sgt, %add3A, %sign3A : i32
    %sign3A_4 = arith.extui %sign3A_3 : i1 to i32
    %sign3A_5 = arith.constant 0 : i32
    %sign3A_6 = arith.cmpi slt, %add3A, %sign3A_5 : i32
    %sign3A_7 = arith.extui %sign3A_6 : i1 to i32
    %sign3A_8 = arith.subi %sign3A_4, %sign3A_7 : i32
    %sign3A_9 = arith.constant 0 : i32
    %sign3A_10 = arith.cmpi sgt, %jit3A, %sign3A_9 : i32
    %sign3A_11 = arith.extui %sign3A_10 : i1 to i32
    %sign3A_12 = arith.constant 0 : i32
    %sign3A_13 = arith.cmpi slt, %jit3A, %sign3A_12 : i32
    %sign3A_14 = arith.extui %sign3A_13 : i1 to i32
    %sign3A_15 = arith.subi %sign3A_11, %sign3A_14 : i32
    %ne3A = arith.cmpi ne, %sign3A_8, %sign3A_15 : i32
    %rem3A = arith.remsi %add3A, %jit3A : i32
    %ne3A_16 = arith.constant 0 : i32
    %ne3A_17 = arith.cmpi ne, %rem3A, %ne3A_16 : i32
    %and3A = arith.andi %ne3A, %ne3A_17 : i1
    %sub3A = arith.constant 1 : i32
    %sub3A_18 = arith.subi %div3A, %sub3A : i32
    %select_n3A = arith.select %and3A, %sub3A_18, %div3A : i32
    %jit3A_19 = arith.constant 8 : i32
    %eq3A = arith.constant 0 : i32
    %eq3A_20 = arith.cmpi eq, %jit3A_19, %eq3A : i32
    %jit3A_21 = arith.constant 1 : i32
    %select_n3A_22 = arith.select %eq3A_20, %jit3A_21, %jit3A_19 : i32
    %rem3A_23 = arith.remsi %add3A, %select_n3A_22 : i32
    %ne3A_24 = arith.constant 0 : i32
    %ne3A_25 = arith.cmpi ne, %rem3A_23, %ne3A_24 : i32
    %lt3A = arith.constant 0 : i32
    %lt3A_26 = arith.cmpi slt, %rem3A_23, %lt3A : i32
    %lt3A_27 = arith.constant 0 : i32
    %lt3A_28 = arith.cmpi slt, %select_n3A_22, %lt3A_27 : i32
    %ne3A_29 = arith.xori %lt3A_26, %lt3A_28 : i1
    %and3A_30 = arith.andi %ne3A_29, %ne3A_25 : i1
    %add3A_31 = arith.addi %rem3A_23, %select_n3A_22 : i32
    %select_n3A_32 = arith.select %and3A_30, %add3A_31, %rem3A_23 : i32
    %mul3A_33 = arith.constant 1024 : i32
    %mul3A_34 = arith.muli %select_n3A_32, %mul3A_33 : i32
    "tpu.region"() ({
      %run_scoped3A = tpu.sem_alloc : memref<!tpu.dma_semaphore, #tpu.memory_space<semaphore_mem>>
      %dma_start3A = tpu.memref_slice %arg2[%select_n3A, %mul3A_34] : memref<4x8192xi32, #tpu.memory_space<hbm>> -> memref<1x1024xi32, #tpu.memory_space<hbm>>
      %dma_start3A_52 = tpu.memref_squeeze %dma_start3A : memref<1x1024xi32, #tpu.memory_space<hbm>> -> memref<1024xi32, #tpu.memory_space<hbm>>
      %dma_start3A_53 = tpu.memref_slice %arg2[%select_n3A, %mul3A_34] : memref<4x8192xi32, #tpu.memory_space<hbm>> -> memref<1x1024xi32, #tpu.memory_space<hbm>>
      %dma_start3A_54 = tpu.memref_squeeze %dma_start3A_53 : memref<1x1024xi32, #tpu.memory_space<hbm>> -> memref<1024xi32, #tpu.memory_space<hbm>>
      tpu.enqueue_dma source(%dma_start3A_54 : memref<1024xi32, #tpu.memory_space<hbm>>) target(%arg5 : memref<1024xi32, #tpu.memory_space<vmem>>) target_semaphore(%run_scoped3A : memref<!tpu.dma_semaphore, #tpu.memory_space<semaphore_mem>>)
      %dma_wait3A = tpu.memref_slice %arg2[%select_n3A, %mul3A_34] : memref<4x8192xi32, #tpu.memory_space<hbm>> -> memref<1x1024xi32, #tpu.memory_space<hbm>>
      %dma_wait3A_55 = tpu.memref_squeeze %dma_wait3A : memref<1x1024xi32, #tpu.memory_space<hbm>> -> memref<1024xi32, #tpu.memory_space<hbm>>
      %dma_wait3A_56 = tpu.memref_slice %arg2[%select_n3A, %mul3A_34] : memref<4x8192xi32, #tpu.memory_space<hbm>> -> memref<1x1024xi32, #tpu.memory_space<hbm>>
      %dma_wait3A_57 = tpu.memref_squeeze %dma_wait3A_56 : memref<1x1024xi32, #tpu.memory_space<hbm>> -> memref<1024xi32, #tpu.memory_space<hbm>>
      tpu.wait_dma2 semaphore(%run_scoped3A : memref<!tpu.dma_semaphore, #tpu.memory_space<semaphore_mem>>) src(%dma_wait3A_57 : memref<1024xi32, #tpu.memory_space<hbm>>) dst(%arg5 : memref<1024xi32, #tpu.memory_space<vmem>>)
      tpu.yield
    }) : () -> ()
    %scan3A = arith.constant 0 : i32
    %scan3A_35 = arith.constant 0 : i32
    %scan3A_36 = arith.constant 5 : i32
    %scan3A_37 = arith.addi %scan3A_35, %scan3A_36 : i32
    %scan3A_38 = arith.constant 1 : i32
    scf.for %scan3A_52 = %scan3A_35 to %scan3A_37 step %scan3A_38  : i32 {
      %rem3A_53 = arith.constant 5 : i32
      %rem3A_54 = arith.remsi %scan3A_52, %rem3A_53 : i32
      %mul3A_55 = arith.constant 32 : i32
      %mul3A_56 = arith.muli %scan3A_52, %mul3A_55 : i32
      %multiple_of3A = tpu.assume_multiple %mul3A_56, 32 : i32
      %dma_start3A = arith.constant 0 : i32
      %dma_start3A_57 = arith.constant 0 : i32
      %dma_start3A_58 = tpu.memref_slice %arg6[%rem3A_54, %dma_start3A, %dma_start3A_57] : memref<5x32x768xf32, #tpu.memory_space<vmem>> -> memref<1x32x768xf32, #tpu.memory_space<vmem>>
      %dma_start3A_59 = tpu.memref_squeeze %dma_start3A_58 : memref<1x32x768xf32, #tpu.memory_space<vmem>> -> memref<32x768xf32, #tpu.memory_space<vmem>>
      %dma_start3A_60 = tpu.memref_slice %arg5[%multiple_of3A] : memref<1024xi32, #tpu.memory_space<vmem>> -> memref<32xi32, #tpu.memory_space<vmem>>
      %dma_start3A_61 = arith.constant 0 : i32
      %dma_start3A_62 = arith.constant 0 : i32
      %dma_start3A_63 = tpu.memref_slice %arg3[%dma_start3A_61, %dma_start3A_62] : memref<100000x768xf32, #tpu.memory_space<hbm>> -> memref<100000x768xf32, #tpu.memory_space<hbm>>
      %dma_start3A_64 = tpu.memref_slice %arg7[%rem3A_54] : memref<5x!tpu.dma_semaphore, #tpu.memory_space<semaphore_mem>> -> memref<1x!tpu.dma_semaphore, #tpu.memory_space<semaphore_mem>>
      %dma_start3A_65 = tpu.memref_squeeze %dma_start3A_64 : memref<1x!tpu.dma_semaphore, #tpu.memory_space<semaphore_mem>> -> memref<!tpu.dma_semaphore, #tpu.memory_space<semaphore_mem>>
      tpu.enqueue_indirect_dma source(%dma_start3A_63 : memref<100000x768xf32, #tpu.memory_space<hbm>>) target(%dma_start3A_59 : memref<32x768xf32, #tpu.memory_space<vmem>>) offsets(%dma_start3A_60 : memref<32xi32, #tpu.memory_space<vmem>>) semaphore(%dma_start3A_65 : memref<!tpu.dma_semaphore, #tpu.memory_space<semaphore_mem>>)
    }
    %scan3A_39 = arith.constant 5 : i32
    %scan3A_40 = arith.constant 0 : i32
    %scan3A_41 = arith.constant 0 : i32
    %scan3A_42 = arith.constant 27 : i32
    %scan3A_43 = arith.addi %scan3A_41, %scan3A_42 : i32
    %scan3A_44 = arith.constant 1 : i32
    scf.for %scan3A_52 = %scan3A_41 to %scan3A_43 step %scan3A_44  : i32 {
      %rem3A_53 = arith.constant 5 : i32
      %rem3A_54 = arith.remsi %scan3A_52, %rem3A_53 : i32
      %mul3A_55 = arith.constant 32 : i32
      %mul3A_56 = arith.muli %scan3A_52, %mul3A_55 : i32
      %multiple_of3A = tpu.assume_multiple %mul3A_56, 32 : i32
      %dma_wait3A = arith.constant 0 : i32
      %dma_wait3A_57 = arith.constant 0 : i32
      %dma_wait3A_58 = tpu.memref_slice %arg6[%rem3A_54, %dma_wait3A, %dma_wait3A_57] : memref<5x32x768xf32, #tpu.memory_space<vmem>> -> memref<1x32x768xf32, #tpu.memory_space<vmem>>
      %dma_wait3A_59 = tpu.memref_squeeze %dma_wait3A_58 : memref<1x32x768xf32, #tpu.memory_space<vmem>> -> memref<32x768xf32, #tpu.memory_space<vmem>>
      %dma_wait3A_60 = tpu.memref_slice %arg5[%multiple_of3A] : memref<1024xi32, #tpu.memory_space<vmem>> -> memref<32xi32, #tpu.memory_space<vmem>>
      %dma_wait3A_61 = arith.constant 0 : i32
      %dma_wait3A_62 = arith.constant 0 : i32
      %dma_wait3A_63 = tpu.memref_slice %arg3[%dma_wait3A_61, %dma_wait3A_62] : memref<100000x768xf32, #tpu.memory_space<hbm>> -> memref<100000x768xf32, #tpu.memory_space<hbm>>
      %dma_wait3A_64 = tpu.memref_slice %arg7[%rem3A_54] : memref<5x!tpu.dma_semaphore, #tpu.memory_space<semaphore_mem>> -> memref<1x!tpu.dma_semaphore, #tpu.memory_space<semaphore_mem>>
      %dma_wait3A_65 = tpu.memref_squeeze %dma_wait3A_64 : memref<1x!tpu.dma_semaphore, #tpu.memory_space<semaphore_mem>> -> memref<!tpu.dma_semaphore, #tpu.memory_space<semaphore_mem>>
      tpu.wait_indirect_dma semaphore(%dma_wait3A_65 : memref<!tpu.dma_semaphore, #tpu.memory_space<semaphore_mem>>) src(%dma_wait3A_63 : memref<100000x768xf32, #tpu.memory_space<hbm>>) dst(%dma_wait3A_59 : memref<32x768xf32, #tpu.memory_space<vmem>>)
      %add3A_66 = arith.addi %mul3A_2, %multiple_of3A : i32
      %dma_start3A = arith.constant 0 : i32
      %dma_start3A_67 = arith.constant 0 : i32
      %dma_start3A_68 = tpu.memref_slice %arg6[%rem3A_54, %dma_start3A, %dma_start3A_67] : memref<5x32x768xf32, #tpu.memory_space<vmem>> -> memref<1x32x768xf32, #tpu.memory_space<vmem>>
      %dma_start3A_69 = tpu.memref_squeeze %dma_start3A_68 : memref<1x32x768xf32, #tpu.memory_space<vmem>> -> memref<32x768xf32, #tpu.memory_space<vmem>>
      %dma_start3A_70 = arith.constant 0 : i32
      %dma_start3A_71 = tpu.memref_slice %arg4[%add3A_66, %dma_start3A_70] : memref<32768x768xf32, #tpu.memory_space<hbm>> -> memref<32x768xf32, #tpu.memory_space<hbm>>
      %dma_start3A_72 = tpu.memref_slice %arg8[%rem3A_54] : memref<5x!tpu.dma_semaphore, #tpu.memory_space<semaphore_mem>> -> memref<1x!tpu.dma_semaphore, #tpu.memory_space<semaphore_mem>>
      %dma_start3A_73 = tpu.memref_squeeze %dma_start3A_72 : memref<1x!tpu.dma_semaphore, #tpu.memory_space<semaphore_mem>> -> memref<!tpu.dma_semaphore, #tpu.memory_space<semaphore_mem>>
      %dma_start3A_74 = arith.constant 0 : i32
      %dma_start3A_75 = tpu.memref_slice %arg4[%add3A_66, %dma_start3A_74] : memref<32768x768xf32, #tpu.memory_space<hbm>> -> memref<32x768xf32, #tpu.memory_space<hbm>>
      %dma_start3A_76 = arith.constant 0 : i32
      %dma_start3A_77 = arith.constant 0 : i32
      %dma_start3A_78 = tpu.memref_slice %arg6[%rem3A_54, %dma_start3A_76, %dma_start3A_77] : memref<5x32x768xf32, #tpu.memory_space<vmem>> -> memref<1x32x768xf32, #tpu.memory_space<vmem>>
      %dma_start3A_79 = tpu.memref_squeeze %dma_start3A_78 : memref<1x32x768xf32, #tpu.memory_space<vmem>> -> memref<32x768xf32, #tpu.memory_space<vmem>>
      tpu.enqueue_dma source(%dma_start3A_79 : memref<32x768xf32, #tpu.memory_space<vmem>>) target(%dma_start3A_75 : memref<32x768xf32, #tpu.memory_space<hbm>>) target_semaphore(%dma_start3A_73 : memref<!tpu.dma_semaphore, #tpu.memory_space<semaphore_mem>>)
      %dma_wait3A_80 = arith.constant 0 : i32
      %dma_wait3A_81 = arith.constant 0 : i32
      %dma_wait3A_82 = tpu.memref_slice %arg6[%rem3A_54, %dma_wait3A_80, %dma_wait3A_81] : memref<5x32x768xf32, #tpu.memory_space<vmem>> -> memref<1x32x768xf32, #tpu.memory_space<vmem>>
      %dma_wait3A_83 = tpu.memref_squeeze %dma_wait3A_82 : memref<1x32x768xf32, #tpu.memory_space<vmem>> -> memref<32x768xf32, #tpu.memory_space<vmem>>
      %dma_wait3A_84 = arith.constant 0 : i32
      %dma_wait3A_85 = tpu.memref_slice %arg4[%add3A_66, %dma_wait3A_84] : memref<32768x768xf32, #tpu.memory_space<hbm>> -> memref<32x768xf32, #tpu.memory_space<hbm>>
      %dma_wait3A_86 = tpu.memref_slice %arg8[%rem3A_54] : memref<5x!tpu.dma_semaphore, #tpu.memory_space<semaphore_mem>> -> memref<1x!tpu.dma_semaphore, #tpu.memory_space<semaphore_mem>>
      %dma_wait3A_87 = tpu.memref_squeeze %dma_wait3A_86 : memref<1x!tpu.dma_semaphore, #tpu.memory_space<semaphore_mem>> -> memref<!tpu.dma_semaphore, #tpu.memory_space<semaphore_mem>>
      %dma_wait3A_88 = arith.constant 0 : i32
      %dma_wait3A_89 = tpu.memref_slice %arg4[%add3A_66, %dma_wait3A_88] : memref<32768x768xf32, #tpu.memory_space<hbm>> -> memref<32x768xf32, #tpu.memory_space<hbm>>
      %dma_wait3A_90 = arith.constant 0 : i32
      %dma_wait3A_91 = arith.constant 0 : i32
      %dma_wait3A_92 = tpu.memref_slice %arg6[%rem3A_54, %dma_wait3A_90, %dma_wait3A_91] : memref<5x32x768xf32, #tpu.memory_space<vmem>> -> memref<1x32x768xf32, #tpu.memory_space<vmem>>
      %dma_wait3A_93 = tpu.memref_squeeze %dma_wait3A_92 : memref<1x32x768xf32, #tpu.memory_space<vmem>> -> memref<32x768xf32, #tpu.memory_space<vmem>>
      tpu.wait_dma2 semaphore(%dma_wait3A_87 : memref<!tpu.dma_semaphore, #tpu.memory_space<semaphore_mem>>) src(%dma_wait3A_93 : memref<32x768xf32, #tpu.memory_space<vmem>>) dst(%dma_wait3A_89 : memref<32x768xf32, #tpu.memory_space<hbm>>)
      %add3A_94 = arith.constant 5 : i32
      %add3A_95 = arith.addi %scan3A_52, %add3A_94 : i32
      %mul3A_96 = arith.constant 32 : i32
      %mul3A_97 = arith.muli %add3A_95, %mul3A_96 : i32
      %multiple_of3A_98 = tpu.assume_multiple %mul3A_97, 32 : i32
      %dma_start3A_99 = arith.constant 0 : i32
      %dma_start3A_100 = arith.constant 0 : i32
      %dma_start3A_101 = tpu.memref_slice %arg6[%rem3A_54, %dma_start3A_99, %dma_start3A_100] : memref<5x32x768xf32, #tpu.memory_space<vmem>> -> memref<1x32x768xf32, #tpu.memory_space<vmem>>
      %dma_start3A_102 = tpu.memref_squeeze %dma_start3A_101 : memref<1x32x768xf32, #tpu.memory_space<vmem>> -> memref<32x768xf32, #tpu.memory_space<vmem>>
      %dma_start3A_103 = tpu.memref_slice %arg5[%multiple_of3A_98] : memref<1024xi32, #tpu.memory_space<vmem>> -> memref<32xi32, #tpu.memory_space<vmem>>
      %dma_start3A_104 = arith.constant 0 : i32
      %dma_start3A_105 = arith.constant 0 : i32
      %dma_start3A_106 = tpu.memref_slice %arg3[%dma_start3A_104, %dma_start3A_105] : memref<100000x768xf32, #tpu.memory_space<hbm>> -> memref<100000x768xf32, #tpu.memory_space<hbm>>
      %dma_start3A_107 = tpu.memref_slice %arg7[%rem3A_54] : memref<5x!tpu.dma_semaphore, #tpu.memory_space<semaphore_mem>> -> memref<1x!tpu.dma_semaphore, #tpu.memory_space<semaphore_mem>>
      %dma_start3A_108 = tpu.memref_squeeze %dma_start3A_107 : memref<1x!tpu.dma_semaphore, #tpu.memory_space<semaphore_mem>> -> memref<!tpu.dma_semaphore, #tpu.memory_space<semaphore_mem>>
      tpu.enqueue_indirect_dma source(%dma_start3A_106 : memref<100000x768xf32, #tpu.memory_space<hbm>>) target(%dma_start3A_102 : memref<32x768xf32, #tpu.memory_space<vmem>>) offsets(%dma_start3A_103 : memref<32xi32, #tpu.memory_space<vmem>>) semaphore(%dma_start3A_108 : memref<!tpu.dma_semaphore, #tpu.memory_space<semaphore_mem>>)
    }
    %scan3A_45 = arith.constant 27 : i32
    %scan3A_46 = arith.constant 0 : i32
    %scan3A_47 = arith.constant 27 : i32
    %scan3A_48 = arith.constant 5 : i32
    %scan3A_49 = arith.addi %scan3A_47, %scan3A_48 : i32
    %scan3A_50 = arith.constant 1 : i32
    scf.for %scan3A_52 = %scan3A_47 to %scan3A_49 step %scan3A_50  : i32 {
      %rem3A_53 = arith.constant 5 : i32
      %rem3A_54 = arith.remsi %scan3A_52, %rem3A_53 : i32
      %mul3A_55 = arith.constant 32 : i32
      %mul3A_56 = arith.muli %scan3A_52, %mul3A_55 : i32
      %multiple_of3A = tpu.assume_multiple %mul3A_56, 32 : i32
      %dma_wait3A = arith.constant 0 : i32
      %dma_wait3A_57 = arith.constant 0 : i32
      %dma_wait3A_58 = tpu.memref_slice %arg6[%rem3A_54, %dma_wait3A, %dma_wait3A_57] : memref<5x32x768xf32, #tpu.memory_space<vmem>> -> memref<1x32x768xf32, #tpu.memory_space<vmem>>
      %dma_wait3A_59 = tpu.memref_squeeze %dma_wait3A_58 : memref<1x32x768xf32, #tpu.memory_space<vmem>> -> memref<32x768xf32, #tpu.memory_space<vmem>>
      %dma_wait3A_60 = tpu.memref_slice %arg5[%multiple_of3A] : memref<1024xi32, #tpu.memory_space<vmem>> -> memref<32xi32, #tpu.memory_space<vmem>>
      %dma_wait3A_61 = arith.constant 0 : i32
      %dma_wait3A_62 = arith.constant 0 : i32
      %dma_wait3A_63 = tpu.memref_slice %arg3[%dma_wait3A_61, %dma_wait3A_62] : memref<100000x768xf32, #tpu.memory_space<hbm>> -> memref<100000x768xf32, #tpu.memory_space<hbm>>
      %dma_wait3A_64 = tpu.memref_slice %arg7[%rem3A_54] : memref<5x!tpu.dma_semaphore, #tpu.memory_space<semaphore_mem>> -> memref<1x!tpu.dma_semaphore, #tpu.memory_space<semaphore_mem>>
      %dma_wait3A_65 = tpu.memref_squeeze %dma_wait3A_64 : memref<1x!tpu.dma_semaphore, #tpu.memory_space<semaphore_mem>> -> memref<!tpu.dma_semaphore, #tpu.memory_space<semaphore_mem>>
      tpu.wait_indirect_dma semaphore(%dma_wait3A_65 : memref<!tpu.dma_semaphore, #tpu.memory_space<semaphore_mem>>) src(%dma_wait3A_63 : memref<100000x768xf32, #tpu.memory_space<hbm>>) dst(%dma_wait3A_59 : memref<32x768xf32, #tpu.memory_space<vmem>>)
      %add3A_66 = arith.addi %mul3A_2, %multiple_of3A : i32
      %dma_start3A = arith.constant 0 : i32
      %dma_start3A_67 = arith.constant 0 : i32
      %dma_start3A_68 = tpu.memref_slice %arg6[%rem3A_54, %dma_start3A, %dma_start3A_67] : memref<5x32x768xf32, #tpu.memory_space<vmem>> -> memref<1x32x768xf32, #tpu.memory_space<vmem>>
      %dma_start3A_69 = tpu.memref_squeeze %dma_start3A_68 : memref<1x32x768xf32, #tpu.memory_space<vmem>> -> memref<32x768xf32, #tpu.memory_space<vmem>>
      %dma_start3A_70 = arith.constant 0 : i32
      %dma_start3A_71 = tpu.memref_slice %arg4[%add3A_66, %dma_start3A_70] : memref<32768x768xf32, #tpu.memory_space<hbm>> -> memref<32x768xf32, #tpu.memory_space<hbm>>
      %dma_start3A_72 = tpu.memref_slice %arg8[%rem3A_54] : memref<5x!tpu.dma_semaphore, #tpu.memory_space<semaphore_mem>> -> memref<1x!tpu.dma_semaphore, #tpu.memory_space<semaphore_mem>>
      %dma_start3A_73 = tpu.memref_squeeze %dma_start3A_72 : memref<1x!tpu.dma_semaphore, #tpu.memory_space<semaphore_mem>> -> memref<!tpu.dma_semaphore, #tpu.memory_space<semaphore_mem>>
      %dma_start3A_74 = arith.constant 0 : i32
      %dma_start3A_75 = tpu.memref_slice %arg4[%add3A_66, %dma_start3A_74] : memref<32768x768xf32, #tpu.memory_space<hbm>> -> memref<32x768xf32, #tpu.memory_space<hbm>>
      %dma_start3A_76 = arith.constant 0 : i32
      %dma_start3A_77 = arith.constant 0 : i32
      %dma_start3A_78 = tpu.memref_slice %arg6[%rem3A_54, %dma_start3A_76, %dma_start3A_77] : memref<5x32x768xf32, #tpu.memory_space<vmem>> -> memref<1x32x768xf32, #tpu.memory_space<vmem>>
      %dma_start3A_79 = tpu.memref_squeeze %dma_start3A_78 : memref<1x32x768xf32, #tpu.memory_space<vmem>> -> memref<32x768xf32, #tpu.memory_space<vmem>>
      tpu.enqueue_dma source(%dma_start3A_79 : memref<32x768xf32, #tpu.memory_space<vmem>>) target(%dma_start3A_75 : memref<32x768xf32, #tpu.memory_space<hbm>>) target_semaphore(%dma_start3A_73 : memref<!tpu.dma_semaphore, #tpu.memory_space<semaphore_mem>>)
      %dma_wait3A_80 = arith.constant 0 : i32
      %dma_wait3A_81 = arith.constant 0 : i32
      %dma_wait3A_82 = tpu.memref_slice %arg6[%rem3A_54, %dma_wait3A_80, %dma_wait3A_81] : memref<5x32x768xf32, #tpu.memory_space<vmem>> -> memref<1x32x768xf32, #tpu.memory_space<vmem>>
      %dma_wait3A_83 = tpu.memref_squeeze %dma_wait3A_82 : memref<1x32x768xf32, #tpu.memory_space<vmem>> -> memref<32x768xf32, #tpu.memory_space<vmem>>
      %dma_wait3A_84 = arith.constant 0 : i32
      %dma_wait3A_85 = tpu.memref_slice %arg4[%add3A_66, %dma_wait3A_84] : memref<32768x768xf32, #tpu.memory_space<hbm>> -> memref<32x768xf32, #tpu.memory_space<hbm>>
      %dma_wait3A_86 = tpu.memref_slice %arg8[%rem3A_54] : memref<5x!tpu.dma_semaphore, #tpu.memory_space<semaphore_mem>> -> memref<1x!tpu.dma_semaphore, #tpu.memory_space<semaphore_mem>>
      %dma_wait3A_87 = tpu.memref_squeeze %dma_wait3A_86 : memref<1x!tpu.dma_semaphore, #tpu.memory_space<semaphore_mem>> -> memref<!tpu.dma_semaphore, #tpu.memory_space<semaphore_mem>>
      %dma_wait3A_88 = arith.constant 0 : i32
      %dma_wait3A_89 = tpu.memref_slice %arg4[%add3A_66, %dma_wait3A_88] : memref<32768x768xf32, #tpu.memory_space<hbm>> -> memref<32x768xf32, #tpu.memory_space<hbm>>
      %dma_wait3A_90 = arith.constant 0 : i32
      %dma_wait3A_91 = arith.constant 0 : i32
      %dma_wait3A_92 = tpu.memref_slice %arg6[%rem3A_54, %dma_wait3A_90, %dma_wait3A_91] : memref<5x32x768xf32, #tpu.memory_space<vmem>> -> memref<1x32x768xf32, #tpu.memory_space<vmem>>
      %dma_wait3A_93 = tpu.memref_squeeze %dma_wait3A_92 : memref<1x32x768xf32, #tpu.memory_space<vmem>> -> memref<32x768xf32, #tpu.memory_space<vmem>>
      tpu.wait_dma2 semaphore(%dma_wait3A_87 : memref<!tpu.dma_semaphore, #tpu.memory_space<semaphore_mem>>) src(%dma_wait3A_93 : memref<32x768xf32, #tpu.memory_space<vmem>>) dst(%dma_wait3A_89 : memref<32x768xf32, #tpu.memory_space<hbm>>)
    }
    %scan3A_51 = arith.constant 5 : i32
    return
  }
}

</mosaic_0001>

<sc_bundles>
// kernel: kernel.3.cloned.1.call-start
scs
__scs_entry_jumppad:
0x0: {  	(pc) =	sbr.rel $0x88, $3  }
0x1: {  	(tag) =	ssettag $0x0;
	lr =	simm.s32 $0x1  }
0x2: {  	[smem:$0x3F9F] =	sst lr;
	_ =	strace $0xD0000000  }
0x3: {  	_ = 	snop  }
0x4: {  	_ = 	snop  }
0x5: {  	_ = 	snop  }
0x6: {  	_ = 	snop  }
0x7: {  	_ = 	snop  }
__scs_overlays_trampoline_lowered:
0x8: {  	[smem:$0x3FAE] =	sst s0  }
0x9: {  	[smem:$0x3FAF] =	sst s1  }
0xa: {  	[smem:$0x3FB0] =	sst s2  }
0xb: {  	[smem:$0x3FB1] =	sst s3  }
0xc: {  	[smem:$0x3FB2] =	sst s4  }
0xd: {  	[smem:$0x3FB3] =	sst s5  }
0xe: {  	[smem:$0x3FB4] =	sst s6  }
0xf: {  	[smem:$0x3FB5] =	sst s7  }
0x10: {  	[smem:$0x3FB6] =	sst s8  }
0x11: {  	[smem:$0x3FB7] =	sst s9;
	s0 =	simm.s32 @!p0 $0x0  }
0x12: {  	s1 =	sld [smem:$0x3F9D];
	s0 =	simm.s32 @p0 $0x1  }
0x13: {  	[smem:$0x3FB8] =	sst s0;
	s0 =	simm.s32 @!p1 $0x0  }
0x14: {  	s2 =	sld [smem:$0x3F9C];
	s0 =	simm.s32 @p1 $0x1  }
0x15: {  	[smem:$0x3FB9] =	sst s0;
	s0 =	simm.s32 @!p2 $0x0  }
0x16: {  	s3 =	sld [smem:$0x3FDB];
	s0 =	simm.s32 @p2 $0x1  }
0x17: {  	s4 =	simm.s32 $0x1BF5;
	[smem:$0x3FBB] =	sst s0  }
0x18: {  	s0 =	sld [smem:$0x3F9E];
	_ =	swait.ge [sflag:s4], $0x0  }
0x19: {  	s7 =	sld [smem:$0x3F9F]  }
0x1a: {  	s8 =	sadd.s32 $0xFFFFE003, lr  }
0x1b: {  	s9 =	sadd.s32 $0xFFFFFEF7, lr;
	s5 =	simm.s32 $0xFFFFFFFF;
	p2 =	slt.u32 s8, $0xFFFFF086  }
0x1c: {  	p1 =	slt.u32 s9, $0xF7A;
	s5 =	simm.s32 @!p2 $0x0  }
0x1d: {  	s5 =	simm.s32 @p1 $0x1;
	p0 =	seq.s32 s7, s2  }
0x1e: {  	s7 =	smul.u32 @!p0 $0xF7A, s2;
	p2 =	seq.s32 @!p0 s5, $0x0  }
0x1f: {  	s9 =	smul.u32 $0xF7A, s1;
	s8 =	simm.s32 @!p0 $0x1BF5;
	p2 =	por !p2, p0  }
0x20: {  	[sflag:s8] =	ssyncset.s32 @!p0 $0xFFFFF086;
	s6 =	sadd.s32 @!p0 s3, s7;
	s7 =	simm.s32 @!p0 $0x108  }
0x21: {  	s3 =	sadd.s32 s3, s9;
	s6 =	sadd.s32 @!p0 $0x88, s6;
	s7 =	simm.s32 @p2 $0x1082  }
0x22: {  	[simem:s7], [sflag:s8] =	dma.local @!p0 [hbm:s6], $0xF7A  }
0x23: {  	s9 =	sor.u32 $0xD0000000, s2;
	s6 =	simm.s32 $0x108;
	_ =	swait.ge @!p0 [sflag:s8], $0x0  }
0x24: {  	s3 =	sadd.s32 $0x88, s3;
	s6 =	simm.s32 @!p1 $0x1082;
	[sflag:s4] =	ssyncset.s32 $0xFFFFF086  }
0x25: {  	[simem:s6], [sflag:s4] =	dma.local [hbm:s3], $0xF7A  }
0x26: {  	[smem:$0x3F9F] =	sst s1;
	(tag) =	ssettag s2;
	_ =	strace s9  }
0x27: {  	s1 =	sld [smem:$0x3FAF]  }
0x28: {  	s2 =	sld [smem:$0x3FB0]  }
0x29: {  	s4 =	sld [smem:$0x3FB2]  }
0x2a: {  	p0 =	seq.s32 s5, $0x0;
	s5 =	sld [smem:$0x3FB3]  }
0x2b: {  	s6 =	sld [smem:$0x3FB4]  }
0x2c: {  	s7 =	sld [smem:$0x3FB5]  }
0x2d: {  	s3 =	simm.s32 $0x108;
	s8 =	sld [smem:$0x3FB6]  }
0x2e: {  	s3 =	simm.s32 @!p0 $0x1082;
	s9 =	sld [smem:$0x3FB7]  }
0x2f: {  	lr =	sadd.s32 s0, s3;
	s0 =	sld [smem:$0x3FAE]  }
0x30: {  	s3 =	sld [smem:$0x3FB1]  }
0x31: {  	[smem:$0x3FBA] =	sst s10  }
0x32: {  	s10 =	sld [smem:$0x3FB8];
	_ =	sdelay $0x3  }
0x33: {  	p0 =	seq.s32 s10, $0x1;
	s10 =	sld [smem:$0x3FBA];
	_ =	sdelay $0x3  }
0x34: {  	[smem:$0x3FBA] =	sst s10  }
0x35: {  	s10 =	sld [smem:$0x3FB9];
	_ =	sdelay $0x3  }
0x36: {  	p1 =	seq.s32 s10, $0x1;
	s10 =	sld [smem:$0x3FBA];
	_ =	sdelay $0x3  }
0x37: {  	[smem:$0x3FBA] =	sst s10  }
0x38: {  	s10 =	sld [smem:$0x3FBB]  }
0x39: {  	_ = 	snop;
	(pc) =	sbr.ind lr, $3  }
0x3a: {  	_ = 	snop  }
0x3b: {  	_ = 	snop  }
0x3c: {  	p2 =	seq.s32 s10, $0x1;
	s10 =	sld [smem:$0x3FBA]  }
0x3d: {  	_ =	shalt  }
0x3e: {  	_ =	shalt  }
0x3f: {  	_ =	shalt  }
0x40: {  	_ =	shalt  }
0x41: {  	_ =	shalt  }
0x42: {  	_ =	shalt  }
0x43: {  	_ =	shalt  }
0x44: {  	_ =	shalt  }
0x45: {  	_ =	shalt  }
0x46: {  	_ =	shalt  }
0x47: {  	_ =	shalt  }
0x48: {  	_ =	shalt  }
0x49: {  	_ =	shalt  }
0x4a: {  	_ =	shalt  }
0x4b: {  	_ =	shalt  }
0x4c: {  	_ =	shalt  }
0x4d: {  	_ =	shalt  }
0x4e: {  	_ =	shalt  }
0x4f: {  	_ =	shalt  }
0x50: {  	_ =	shalt  }
0x51: {  	_ =	shalt  }
0x52: {  	_ =	shalt  }
0x53: {  	_ =	shalt  }
0x54: {  	_ =	shalt  }
0x55: {  	_ =	shalt  }
0x56: {  	_ =	shalt  }
0x57: {  	_ =	shalt  }
0x58: {  	_ =	shalt  }
0x59: {  	_ =	shalt  }
0x5a: {  	_ =	shalt  }
0x5b: {  	_ =	shalt  }
0x5c: {  	_ =	shalt  }
0x5d: {  	_ =	shalt  }
0x5e: {  	_ =	shalt  }
0x5f: {  	_ =	shalt  }
0x60: {  	_ =	shalt  }
0x61: {  	_ =	shalt  }
0x62: {  	_ =	shalt  }
0x63: {  	_ =	shalt  }
0x64: {  	_ =	shalt  }
0x65: {  	_ =	shalt  }
0x66: {  	_ =	shalt  }
0x67: {  	_ =	shalt  }
0x68: {  	_ =	shalt  }
0x69: {  	_ =	shalt  }
0x6a: {  	_ =	shalt  }
0x6b: {  	_ =	shalt  }
0x6c: {  	_ =	shalt  }
0x6d: {  	_ =	shalt  }
0x6e: {  	_ =	shalt  }
0x6f: {  	_ =	shalt  }
0x70: {  	_ =	shalt  }
0x71: {  	_ =	shalt  }
0x72: {  	_ =	shalt  }
0x73: {  	_ =	shalt  }
0x74: {  	_ =	shalt  }
0x75: {  	_ =	shalt  }
0x76: {  	_ =	shalt  }
0x77: {  	_ =	shalt  }
0x78: {  	_ =	shalt  }
0x79: {  	_ =	shalt  }
0x7a: {  	_ =	shalt  }
0x7b: {  	_ =	shalt  }
0x7c: {  	_ =	shalt  }
0x7d: {  	_ =	shalt  }
0x7e: {  	_ =	shalt  }
0x7f: {  	_ =	shalt  }
0x80: {  	_ =	shalt  }
0x81: {  	_ =	shalt  }
0x82: {  	_ =	shalt  }
0x83: {  	_ =	shalt  }
0x84: {  	_ =	shalt  }
0x85: {  	_ =	shalt  }
0x86: {  	_ =	shalt  }
0x87: {  	_ =	shalt  }
.Lfunc_end0:
.L_simem_size_0:
called_computation_lowered:
.L_overlay_start_0:
0x88: {  	s2 =	sld [smem:$0x3FD9]  }
0x89: {  	s3 =	sld [smem:$0x3FFE];
	_ =	sdelay $0x1  }
0x8a: {  	s1 =	srdreg.scid  }
0x8b: {  	s0 =	sand.u32 $0x1, s1  }
0x8c: {  	s18 =	sshll.u32 s0, $0xA;
	s2 =	sadd.s32 s3, s2  }
0x8d: {  	s2 =	sadd.s32 s2, s18  }
0x8e: {  	[smem:$0x3FC6] =	sst s2  }
0x8f: {  	_ = 	snop  }
0x90: {  	s2 =	sld [smem:$0x3FC9]  }
0x91: {  	s19 =	sld [smem:$0x3FC8]  }
0x92: {  	s4 =	sld [smem:$0x3FD0];
	(tm) =	ssettm $0x1  }
0x93: {  	s5 =	sld [smem:$0x3FFB];
	_ =	sdelay $0x3  }
0x94: {  	_ =	strace s5  }
0x95: {  	s5 =	sld [smem:$0x3FFC];
	_ =	sdelay $0x3  }
0x96: {  	_ =	strace s5  }
0x97: {  	s5 =	sld [smem:$0x3FFD];
	_ =	sdelay $0x3  }
0x98: {  	_ =	strace s5  }
0x99: {  	_ =	strace $0x8FFFFFFF  }
0x9a: {  	s20 =	sld [smem:$0x3FDB];
	_ =	sdelay $0x1  }
0x9b: {  	s6 =	simm.s32 $_scs_section_size  }
0x9c: {  	s7 =	simm.s32 $_size__tile_overlayer_lowered;
	s8 =	simm.s32 $_tile_overlayer_lowered  }
0x9d: {  	s23 =	simm.s32 $0x1BFF;
	s22 =	sshll.u32 s8, $0x1;
	s5 =	sadd.s32 s6, s20  }
0x9e: {  	s9 =	simm.s32 $0x0;
	s21 =	sshll.u32 s7, $0x1;
	s7 =	sadd.s32 s22, s5  }
0x9f: {  	[timem:s9], [sflag:s23] =	dma.local [hbm:s7], s21  }
0xa0: {  	_ =	swait.ge [sflag:s23], s21  }
0xa1: {  	s6 =	ssub.s32 $0x0, s21;
	[sflag:s23] =	ssyncset.done $0x0  }
0xa2: {  	[sflag:s23] =	ssyncadd.s32 s6;
	_ =	sdelay $0x1  }
0xa3: {  	s24 =	simm.s32 $0x1B8B  }
0xa4: {  	_ =	swait.ge [sflag:s24], $0x1  }
0xa5: {  	[sflag:s24] =	ssyncset.done $0x0  }
0xa6: {  	s25 =	simm.s32 $0x1B8E;
	[sflag:s24] =	ssyncadd.s32 $0xFFFFFFFF  }
0xa7: {  	s26 =	simm.s32 $execute0_lowered;
	[smem:$0x3FD2] =	sst s25  }
0xa8: {  	s6 =	sshll.u32 s26, $0x1;
	_ =	strace $0x80000046;
	[dreg:$0x1] =	wrdreg $0xFFFFFFFF  }
0xa9: {  	s28 =	simm.s32 $_size_execute0_lowered;
	s5 =	sadd.s32 s5, s6;
	[dreg:$0x0] =	wrdreg $0x0  }
0xaa: {  	s6 =	sshll.u32 s28, $0x1;
	[dreg:$0x2] =	wrdreg s5  }
0xab: {  	[dreg:$0x3] =	wrdreg s6  }
0xac: {  	[dreg:$0x4] =	wrdreg $0xC0  }
0xad: {  	_ =	task [dreg:s9], $0x5FFFF  }
0xae: {  	[dreg:$0x1] =	wrdreg $0xFFFFFFFF  }
0xaf: {  	[dreg:$0x0] =	wrdreg $0x60  }
0xb0: {  	[dreg:$0x2] =	wrdreg s2  }
0xb1: {  	[dreg:$0x3] =	wrdreg s19  }
0xb2: {  	[dreg:$0x4] =	wrdreg s4  }
0xb3: {  	[dreg:$0x5] =	wrdreg $0x9  }
0xb4: {  	_ =	task.clear_ibuf [dreg:s9], $0x6FFFF;
	_ =	strace $0x90000046  }
0xb5: {  	s29 =	simm.s32 $0x9;
	_ =	strace $0x80000048  }
0xb6: {  	_ =	swait.ge [sflag:s29], $0x1  }
0xb7: {  	[sflag:s29] =	ssyncadd.s32 $0xFFFFFFFF  }
0xb8: {  	_ =	strace $0x90000048  }
0xb9: {  	_ =	sfence  }
0xba: {  	s30 =	sld [smem:$0x0];
	_ =	sdelay $0x2  }
0xbb: {  	s31 =	sshll.u32 s1, $0xD;
	s1 =	sshrl.u32 s1, $0x2  }
0xbc: {  	s3 =	sand.u32 $0x4000, s31;
	s1 =	sadd.s32 s1, s30  }
0xbd: {  	s0 =	sor.u32 s3, s0;
	s1 =	sshll.u32 s1, $0x11  }
0xbe: {  	s0 =	sor.u32 s1, s0  }
0xbf: {  	s0 =	sadd.s32 $0x8F2B, s0  }
0xc0: {  	[sflag:s0] =	ssyncadd.remote.s32 $0x1  }
0xc1: {  	_ =	sfence.sel $0xFFFF  }
0xc2: {  	[dreg:$0x0] =	wrdreg $0xFFFFFFFF;
	(pc) =	sbr.abs _section_cstart, $3  }
0xc3: {  	[dreg:$0x1] =	wrdreg $0xFFFFFFFF  }
0xc4: {  	_ =	task.clear_ibuf [dreg:s9], $0x2FFFF;
	_ =	strace $0x9FFFFFFF  }
0xc5: {  	(tm) =	ssettm $0x7FFFFFFF  }
tec
execute0_lowered:
.L_overlay_start_1:
0x0: {  	(tag) =	ssettag $0x1  }
0x1: {  	s0 =	rddreg [dreg:$0x0]  }
0x2: {  	s1 =	rddreg [dreg:$0x1]  }
0x3: {  	s2 =	rddreg [dreg:$0x2]  }
0x4: {  	s3 =	simm.s32 $0x0;
	s4 =	srdreg.scid;
	s10 =	stileid.u32  }
0x5: {  	s16 =	simm.s32 $0xB;
	s17 =	simm.s32 $0x3;
	s19 =	simm.s32 $0x8  }
0x6: {  	s20 =	simm.s32 $0x4;
	s29 =	simm.s32 $0x6;
	s30 =	simm.s32 $0x2  }
0x7: {  	[smem:$0x7FF] =	sst s3;
	s4 =	sand.u32 $0x1, s4;
	s5 =	sshll.u32 s10, $0x1  }
0x8: {  	s7 =	sshll.u32 s10, $0x2;
	s24 =	sshll.u32 s10, $0xB;
	_ =	strace $0x80000047  }
0x9: {  	s6 =	ssub.s32 $0x2, s4;
	s5 =	sor.u32 s4, s5;
	s7 =	sand.u32 $0x30, s7  }
0xa: {  	s4 =	sshll.u32 s4, $0xA;
	s8 =	sshrl.u32 s6, $0x1;
	s9 =	sshll.u32 s5, $0x9  }
0xb: {  	s0 =	sadd.s32 s0, s7;
	s23 =	smul.u32 $0x18000, s5;
	s5 =	sadd.s32 $0x100, s1  }
0xc: {  	s25 =	sor.u32 s4, s24;
	s8 =	ssub.s32 s6, s8;
	s22 =	sand.u32 $0xE00, s9  }
0xd: {  	s6 =	sadd.s32 $0x200, s1;
	s0 =	sadd.s32 s22, s0;
	s26 =	sadd.s32 s2, s23  }
0xe: {  	s28 =	smax.u32 s8, $0x1;
	s22 =	simm.s32 $0x9;
	[dreg:$0x4] =	wrdreg s0  }
0xf: {  	s23 =	simm.s32 $0x5;
	s0 =	sshrl.u32 s25, $0x3;
	[dreg:$0x5] =	wrdreg s28  }
0x10: {  	s31 =	sadd.s32 $0x14400, s26;
	s9 =	sadd.s32 $0x15000, s26;
	s10 =	sadd.s32 $0x15C00, s26  }
0x11: {  	v2 =	vlaneseq.u32;
	s11 =	sadd.s32 $0x16800, s26;
	s12 =	sadd.s32 $0x17400, s26;
	s0 =	smul.u32 $0x300, s0  }
0x12: {  	vm0 =	vmmov $0xffff;
	v1 =	vshrl.u32 v2, $0x3;
	s25 =	simm.s32 $0xA;
	s26 =	simm.s32 $0x1;
	[dreg:$0x6] =	wrdreg s31  }
0x13: {  	v0 =	vand.u32 $0x7, v2;
	v2 =	vor.u32 $0x8, v2;
	v1 =	vmul.u32 $0x8, v1;
	s13 =	sadd.s32 s0, s2;
	s0 =	simm.s32 $0x7;
	s2 =	simm.s32 $0x0  }
.LBB2_1:
0x14: {  	s4 =	rddreg [dreg:$0x4];
	s7 =	simm.s32 $0x80;
	s8 =	simm.s32 $0x200  }
0x15: {  	[tilespmem:s3], [sflag:$0xB] =	stream.strided.gather [hbm4b:s4+s7], $0x400, s8, s7, $0x38;
	[tilespmem:$0x1E400] =	vst v63  }
0x16: {  	_ =	swait.ge [sflag:s16], $0x400  }
0x17: {  	s14 =	simm.s32 $0x10;
	[sflag:s16] =	ssyncset.done $0x0  }
0x18: {  	s15 =	simm.s32 $0x1;
	s18 =	simm.s32 $0x0;
	[sflag:s16] =	ssyncadd.s32 $0xFFFFFC00  }
.LBB2_2:
0x19: {  	v3 =	vld [tilespmem:s14+$0xFFFFFFF0];
	_ =	sdelay $0x4  }
0x1a: {  	v4 =	vshrl.u32 v3, $0x3  }
0x1b: {  	v4 =	vmul.u32 $0x30, v4  }
0x1c: {  	v3 =	vand.u32 $0x7, v3  }
0x1d: {  	v3 =	vor.u32 v3, v4  }
0x1e: {  	v4 =	vperm.xlane v3, v0;
	_ =	sdelay $0x1  }
0x1f: {  	v4 =	vadd.s32 v1, v4;
	_ =	sdelay $0x2  }
0x20: {  	s4 =	sshra.s32 s18, $0x2  }
0x21: {  	s21 =	simm.s32 $0x0;
	s7 =	sadd.s32 $0x400, s4;
	v3 =	vperm.xlane v3, v2  }
0x22: {  	[tilespmem:s7], [sflag:s15] =	stream.indirect_vreg.gather [hbm4b:s1+s21], $0x80, v4, vm0, $0xb8;
	[tilespmem:$0x1E400] =	vst v63  }
0x23: {  	s28 =	sadd.s32 $0xC00, s4;
	v3 =	vadd.s32 v1, v3  }
0x24: {  	[tilespmem:s28], [sflag:s15] =	stream.indirect_vreg.gather [hbm4b:s5+s21], $0x80, v4, vm0, $0xb8;
	[tilespmem:$0x1E400] =	vst v63  }
0x25: {  	s31 =	sadd.s32 $0x1400, s4  }
0x26: {  	[tilespmem:s31], [sflag:s15] =	stream.indirect_vreg.gather [hbm4b:s6+s21], $0x80, v4, vm0, $0xb8;
	[tilespmem:$0x1E400] =	vst v63  }
0x27: {  	s8 =	sadd.s32 $0x1C00, s4  }
0x28: {  	[tilespmem:s8], [sflag:s15] =	stream.indirect_vreg.gather [hbm4b:s1+s21], $0x80, v3, vm0, $0xb8;
	[tilespmem:$0x1E400] =	vst v63  }
0x29: {  	s24 =	sadd.s32 $0x2400, s4  }
0x2a: {  	[tilespmem:s24], [sflag:s15] =	stream.indirect_vreg.gather [hbm4b:s5+s21], $0x80, v3, vm0, $0xb8;
	[tilespmem:$0x1E400] =	vst v63  }
0x2b: {  	s28 =	sadd.s32 $0x2C00, s4  }
0x2c: {  	[tilespmem:s28], [sflag:s15] =	stream.indirect_vreg.gather [hbm4b:s6+s21], $0x80, v3, vm0, $0xb8;
	[tilespmem:$0x1E400] =	vst v63  }
0x2d: {  	v3 =	vld [tilespmem:s14+$0x0];
	_ =	sdelay $0x4  }
0x2e: {  	v63 =	vshrl.u32 v3, $0x3  }
0x2f: {  	v4 =	vmul.u32 $0x30, v63  }
0x30: {  	v3 =	vand.u32 $0x7, v3  }
0x31: {  	v3 =	vor.u32 v3, v4  }
0x32: {  	v4 =	vperm.xlane v3, v0;
	_ =	sdelay $0x1  }
0x33: {  	v4 =	vadd.s32 v1, v4;
	_ =	sdelay $0x3  }
0x34: {  	s31 =	sadd.s32 $0x3400, s4;
	v3 =	vperm.xlane v3, v2  }
0x35: {  	[tilespmem:s31], [sflag:s15] =	stream.indirect_vreg.gather [hbm4b:s1+s21], $0x80, v4, vm0, $0xb8;
	[tilespmem:$0x1E400] =	vst v63  }
0x36: {  	s8 =	sadd.s32 $0x3C00, s4;
	v3 =	vadd.s32 v1, v3  }
0x37: {  	[tilespmem:s8], [sflag:s15] =	stream.indirect_vreg.gather [hbm4b:s5+s21], $0x80, v4, vm0, $0xb8;
	[tilespmem:$0x1E400] =	vst v63  }
0x38: {  	s24 =	sadd.s32 $0x4400, s4  }
0x39: {  	[tilespmem:s24], [sflag:s15] =	stream.indirect_vreg.gather [hbm4b:s6+s21], $0x80, v4, vm0, $0xb8;
	[tilespmem:$0x1E400] =	vst v63  }
0x3a: {  	p0 =	sne.s32 s18, $0x60000;
	s28 =	sadd.s32 $0x4C00, s4  }
0x3b: {  	[tilespmem:s28], [sflag:s15] =	stream.indirect_vreg.gather [hbm4b:s1+s21], $0x80, v3, vm0, $0xb8;
	[tilespmem:$0x1E400] =	vst v63  }
.Ltmp0:
0x3c: {  	s31 =	sadd.s32 $0x5400, s4;
	(pc) =	sbr.rel @p0 .LBB2_2-.Ltmp0, $4  }
0x3d: {  	[tilespmem:s31], [sflag:s15] =	stream.indirect_vreg.gather [hbm4b:s5+s21], $0x80, v3, vm0, $0xb8;
	[tilespmem:$0x1E400] =	vst v63  }
0x3e: {  	s4 =	sadd.s32 $0x5C00, s4  }
0x3f: {  	[tilespmem:s4], [sflag:s15] =	stream.indirect_vreg.gather [hbm4b:s6+s21], $0x80, v3, vm0, $0xb8;
	[tilespmem:$0x1E400] =	vst v63  }
0x40: {  	s18 =	sadd.s32 $0x18000, s18;
	s14 =	sadd.s32 $0x20, s14;
	s15 =	sadd.s32 $0x1, s15  }
0x41: {  	s4 =	smul.u32 $0xCD, s21;
	_ =	sdelay $0x1  }
0x42: {  	s4 =	sshrl.u32 s4, $0xA  }
0x43: {  	s4 =	sand.u32 $0x3F, s4  }
0x44: {  	s4 =	smul.u32 $0x5, s4;
	_ =	sdelay $0x1  }
0x45: {  	s4 =	ssub.s32 $0x0, s4  }
0x46: {  	s4 =	sand.u32 $0xFF, s4  }
0x47: {  	s7 =	smul.u32 $0x18000, s4;
	s14 =	sadd.s32 $0x1, s4  }
0x48: {  	_ =	swait.ge [sflag:s14], $0x6000  }
0x49: {  	s15 =	sshrl.u32 s7, $0x2;
	[sflag:s14] =	ssyncset.done $0x0  }
0x4a: {  	s4 =	sadd.s32 $0x6, s4;
	[sflag:s14] =	ssyncadd.s32 $0xFFFFA000;
	s7 =	sor.u32 $0x400, s15  }
0x4b: {  	[hbm4b:s13+s3] =	stream.linear.scatter [tilespmem:s7], [sflag:s4], $0x6000, $0x38;
	[tilespmem:$0x1E400] =	vst v63  }
0x4c: {  	_ =	swait.ge [sflag:s4], $0x6000  }
0x4d: {  	[sflag:s4] =	ssyncset.done $0x0  }
0x4e: {  	s18 =	simm.s32 $0xB0;
	[sflag:s4] =	ssyncadd.s32 $0xFFFFA000  }
0x4f: {  	v3 =	vld [tilespmem:s18+$0xFFFFFFF0];
	_ =	sdelay $0x4  }
0x50: {  	v4 =	vshrl.u32 v3, $0x3  }
0x51: {  	v4 =	vmul.u32 $0x30, v4  }
0x52: {  	v3 =	vand.u32 $0x7, v3  }
0x53: {  	v3 =	vor.u32 v3, v4  }
0x54: {  	v4 =	vperm.xlane v3, v0;
	_ =	sdelay $0x1  }
0x55: {  	v4 =	vadd.s32 v1, v4;
	_ =	sdelay $0x3  }
0x56: {  	v3 =	vperm.xlane v3, v2  }
0x57: {  	[tilespmem:s7], [sflag:s14] =	stream.indirect_vreg.gather [hbm4b:s1+s3], $0x80, v4, vm0, $0xb8;
	[tilespmem:$0x1E400] =	vst v63  }
0x58: {  	s8 =	sor.u32 $0xC00, s15;
	v3 =	vadd.s32 v1, v3  }
0x59: {  	[tilespmem:s8], [sflag:s14] =	stream.indirect_vreg.gather [hbm4b:s5+s3], $0x80, v4, vm0, $0xb8;
	[tilespmem:$0x1E400] =	vst v63  }
0x5a: {  	s21 =	sor.u32 $0x1400, s15  }
0x5b: {  	[tilespmem:s21], [sflag:s14] =	stream.indirect_vreg.gather [hbm4b:s6+s3], $0x80, v4, vm0, $0xb8;
	[tilespmem:$0x1E400] =	vst v63  }
0x5c: {  	s24 =	sor.u32 $0x1C00, s15  }
0x5d: {  	[tilespmem:s24], [sflag:s14] =	stream.indirect_vreg.gather [hbm4b:s1+s3], $0x80, v3, vm0, $0xb8;
	[tilespmem:$0x1E400] =	vst v63  }
0x5e: {  	s7 =	sadd.s32 $0x2400, s15  }
0x5f: {  	[tilespmem:s7], [sflag:s14] =	stream.indirect_vreg.gather [hbm4b:s5+s3], $0x80, v3, vm0, $0xb8;
	[tilespmem:$0x1E400] =	vst v63  }
0x60: {  	s8 =	sadd.s32 $0x2C00, s15  }
0x61: {  	[tilespmem:s8], [sflag:s14] =	stream.indirect_vreg.gather [hbm4b:s6+s3], $0x80, v3, vm0, $0xb8;
	[tilespmem:$0x1E400] =	vst v63  }
0x62: {  	v3 =	vld [tilespmem:s18+$0x0];
	_ =	sdelay $0x4  }
0x63: {  	v4 =	vshrl.u32 v3, $0x3  }
0x64: {  	v4 =	vmul.u32 $0x30, v4  }
0x65: {  	v3 =	vand.u32 $0x7, v3  }
0x66: {  	v4 =	vor.u32 v3, v4  }
0x67: {  	v3 =	vperm.xlane v4, v0;
	_ =	sdelay $0x1  }
0x68: {  	s24 =	simm.s32 $0x1;
	v3 =	vadd.s32 v1, v3  }
0x69: {  	s18 =	smul.u32 $0xCD, s24;
	_ =	sdelay $0x1  }
0x6a: {  	s28 =	simm.s32 $0x2;
	s4 =	sshrl.u32 s18, $0xA  }
0x6b: {  	s21 =	sadd.s32 $0x3400, s15;
	s7 =	sadd.s32 $0x3C00, s15;
	s4 =	sand.u32 $0x3F, s4;
	v4 =	vperm.xlane v4, v2  }
0x6c: {  	[tilespmem:s21], [sflag:s14] =	stream.indirect_vreg.gather [hbm4b:s1+s3], $0x80, v3, vm0, $0xb8;
	[tilespmem:$0x1E400] =	vst v63  }
0x6d: {  	s18 =	simm.s32 $0xD0;
	s31 =	smul.u32 $0x5, s4;
	v4 =	vadd.s32 v1, v4;
	s21 =	sadd.s32 $0xC00, s13  }
.LBB2_4:
0x6e: {  	[tilespmem:s7], [sflag:s14] =	stream.indirect_vreg.gather [hbm4b:s5+s3], $0x80, v3, vm0, $0xb8;
	[tilespmem:$0x1E400] =	vst v63  }
0x6f: {  	s7 =	smov.u32 s28  }
0x70: {  	s4 =	sadd.s32 $0x1, s28;
	s31 =	ssub.s32 s24, s31;
	s24 =	sadd.s32 $0x4400, s15  }
0x71: {  	[tilespmem:s24], [sflag:s14] =	stream.indirect_vreg.gather [hbm4b:s6+s3], $0x80, v3, vm0, $0xb8;
	[tilespmem:$0x1E400] =	vst v63  }
0x72: {  	p0 =	sne.s32 s28, $0x1A;
	s28 =	sadd.s32 $0x4C00, s15;
	s24 =	smov.u32 s7  }
0x73: {  	[tilespmem:s28], [sflag:s14] =	stream.indirect_vreg.gather [hbm4b:s1+s3], $0x80, v4, vm0, $0xb8;
	[tilespmem:$0x1E400] =	vst v63  }
0x74: {  	s7 =	sand.u32 $0xFF, s31;
	s28 =	sadd.s32 $0x5400, s15  }
0x75: {  	s8 =	sadd.s32 $0x5C00, s15;
	s31 =	smul.u32 $0x18000, s7  }
0x76: {  	[tilespmem:s28], [sflag:s14] =	stream.indirect_vreg.gather [hbm4b:s5+s3], $0x80, v4, vm0, $0xb8;
	[tilespmem:$0x1E400] =	vst v63  }
0x77: {  	s15 =	sshrl.u32 s31, $0x2;
	s28 =	sadd.s32 $0x1, s7  }
0x78: {  	[tilespmem:s8], [sflag:s14] =	stream.indirect_vreg.gather [hbm4b:s6+s3], $0x80, v4, vm0, $0xb8;
	[tilespmem:$0x1E400] =	vst v63  }
0x79: {  	s14 =	smov.u32 s28;
	_ =	swait.ge [sflag:s28], $0x6000  }
0x7a: {  	[sflag:s14] =	ssyncset.done $0x0  }
0x7b: {  	s7 =	sadd.s32 $0x6, s7;
	s8 =	sor.u32 $0x400, s15;
	[sflag:s14] =	ssyncadd.s32 $0xFFFFA000  }
0x7c: {  	[hbm4b:s21+s3] =	stream.linear.scatter [tilespmem:s8], [sflag:s7], $0x6000, $0x38;
	[tilespmem:$0x1E400] =	vst v63  }
0x7d: {  	_ =	swait.ge [sflag:s7], $0x6000  }
0x7e: {  	[sflag:s7] =	ssyncset.done $0x0  }
0x7f: {  	[sflag:s7] =	ssyncadd.s32 $0xFFFFA000  }
0x80: {  	v3 =	vld [tilespmem:s18+$0xFFFFFFF0];
	_ =	sdelay $0x4  }
0x81: {  	v4 =	vshrl.u32 v3, $0x3  }
0x82: {  	v4 =	vmul.u32 $0x30, v4  }
0x83: {  	v3 =	vand.u32 $0x7, v3  }
0x84: {  	v3 =	vor.u32 v3, v4  }
0x85: {  	v4 =	vperm.xlane v3, v0;
	v3 =	vperm.xlane v3, v2;
	_ =	sdelay $0x1  }
0x86: {  	v4 =	vadd.s32 v1, v4;
	_ =	sdelay $0x4  }
0x87: {  	[tilespmem:s8], [sflag:s14] =	stream.indirect_vreg.gather [hbm4b:s1+s3], $0x80, v4, vm0, $0xb8;
	[tilespmem:$0x1E400] =	vst v63  }
0x88: {  	s7 =	sor.u32 $0xC00, s15;
	v3 =	vadd.s32 v1, v3  }
0x89: {  	[tilespmem:s7], [sflag:s14] =	stream.indirect_vreg.gather [hbm4b:s5+s3], $0x80, v4, vm0, $0xb8;
	[tilespmem:$0x1E400] =	vst v63  }
0x8a: {  	s7 =	sor.u32 $0x1400, s15  }
0x8b: {  	[tilespmem:s7], [sflag:s14] =	stream.indirect_vreg.gather [hbm4b:s6+s3], $0x80, v4, vm0, $0xb8;
	[tilespmem:$0x1E400] =	vst v63  }
0x8c: {  	s7 =	sor.u32 $0x1C00, s15  }
0x8d: {  	[tilespmem:s7], [sflag:s14] =	stream.indirect_vreg.gather [hbm4b:s1+s3], $0x80, v3, vm0, $0xb8;
	[tilespmem:$0x1E400] =	vst v63  }
0x8e: {  	s7 =	sadd.s32 $0x2400, s15  }
0x8f: {  	[tilespmem:s7], [sflag:s14] =	stream.indirect_vreg.gather [hbm4b:s5+s3], $0x80, v3, vm0, $0xb8;
	[tilespmem:$0x1E400] =	vst v63  }
0x90: {  	s7 =	sadd.s32 $0x2C00, s15  }
0x91: {  	[tilespmem:s7], [sflag:s14] =	stream.indirect_vreg.gather [hbm4b:s6+s3], $0x80, v3, vm0, $0xb8;
	[tilespmem:$0x1E400] =	vst v63  }
0x92: {  	v3 =	vld [tilespmem:s18+$0x0];
	_ =	sdelay $0x4  }
0x93: {  	v4 =	vshrl.u32 v3, $0x3  }
0x94: {  	v4 =	vmul.u32 $0x30, v4  }
0x95: {  	v3 =	vand.u32 $0x7, v3  }
0x96: {  	v3 =	vor.u32 v3, v4  }
0x97: {  	v4 =	vperm.xlane v3, v0;
	v5 =	vperm.xlane v3, v2;
	_ =	sdelay $0x1  }
0x98: {  	v3 =	vadd.s32 v1, v4  }
0x99: {  	s7 =	smul.u32 $0xCD, s24  }
.Ltmp1:
0x9a: {  	(pc) =	sbr.rel @p0 .LBB2_4-.Ltmp1, $4  }
0x9b: {  	s28 =	smov.u32 s4;
	s7 =	sshrl.u32 s7, $0xA  }
0x9c: {  	s21 =	sadd.s32 $0xC00, s21;
	s8 =	sadd.s32 $0x3400, s15;
	s7 =	sand.u32 $0x3F, s7  }
0x9d: {  	[tilespmem:s8], [sflag:s14] =	stream.indirect_vreg.gather [hbm4b:s1+s3], $0x80, v3, vm0, $0xb8;
	[tilespmem:$0x1E400] =	vst v63  }
0x9e: {  	s18 =	sadd.s32 $0x20, s18;
	s31 =	smul.u32 $0x5, s7;
	s7 =	sadd.s32 $0x3C00, s15;
	v4 =	vadd.s32 v1, v5  }
0x9f: {  	_ =	sdelay $0x3  }
0xa0: {  	[tilespmem:s7], [sflag:s14] =	stream.indirect_vreg.gather [hbm4b:s5+s3], $0x80, v3, vm0, $0xb8;
	[tilespmem:$0x1E400] =	vst v63  }
0xa1: {  	s4 =	sadd.s32 $0x4400, s15  }
0xa2: {  	[tilespmem:s4], [sflag:s14] =	stream.indirect_vreg.gather [hbm4b:s6+s3], $0x80, v3, vm0, $0xb8;
	[tilespmem:$0x1E400] =	vst v63  }
0xa3: {  	s8 =	sadd.s32 $0x4C00, s15  }
0xa4: {  	[tilespmem:s8], [sflag:s14] =	stream.indirect_vreg.gather [hbm4b:s1+s3], $0x80, v4, vm0, $0xb8;
	[tilespmem:$0x1E400] =	vst v63  }
0xa5: {  	s28 =	ssub.s32 s24, s31;
	s31 =	sadd.s32 $0x5400, s15  }
0xa6: {  	[tilespmem:s31], [sflag:s14] =	stream.indirect_vreg.gather [hbm4b:s5+s3], $0x80, v4, vm0, $0xb8;
	[tilespmem:$0x1E400] =	vst v63  }
0xa7: {  	s4 =	sand.u32 $0xFF, s28;
	s8 =	sadd.s32 $0x5C00, s15  }
0xa8: {  	[tilespmem:s8], [sflag:s14] =	stream.indirect_vreg.gather [hbm4b:s6+s3], $0x80, v4, vm0, $0xb8;
	[tilespmem:$0x1E400] =	vst v63  }
0xa9: {  	s14 =	smul.u32 $0x18000, s4;
	s8 =	sadd.s32 $0x1, s4  }
0xaa: {  	_ =	swait.ge [sflag:s8], $0x6000  }
0xab: {  	s7 =	sshrl.u32 s14, $0x2;
	[sflag:s8] =	ssyncset.done $0x0  }
0xac: {  	s4 =	sadd.s32 $0x6, s4;
	[sflag:s8] =	ssyncadd.s32 $0xFFFFA000;
	s15 =	sor.u32 $0x400, s7  }
0xad: {  	[hbm4b:s21+s3] =	stream.linear.scatter [tilespmem:s15], [sflag:s4], $0x6000, $0x38;
	[tilespmem:$0x1E400] =	vst v63  }
0xae: {  	_ =	swait.ge [sflag:s4], $0x6000  }
0xaf: {  	[sflag:s4] =	ssyncset.done $0x0  }
0xb0: {  	[sflag:s4] =	ssyncadd.s32 $0xFFFFA000  }
0xb1: {  	v3 =	vld [tilespmem:s18+$0xFFFFFFF0];
	_ =	sdelay $0x4  }
0xb2: {  	v62 =	vshrl.u32 v3, $0x3  }
0xb3: {  	v4 =	vmul.u32 $0x30, v62  }
0xb4: {  	v3 =	vand.u32 $0x7, v3  }
0xb5: {  	v3 =	vor.u32 v3, v4  }
0xb6: {  	v4 =	vperm.xlane v3, v0;
	_ =	sdelay $0x1  }
0xb7: {  	v4 =	vadd.s32 v1, v4;
	_ =	sdelay $0x3  }
0xb8: {  	v3 =	vperm.xlane v3, v2  }
0xb9: {  	[tilespmem:s15], [sflag:s8] =	stream.indirect_vreg.gather [hbm4b:s1+s3], $0x80, v4, vm0, $0xb8;
	[tilespmem:$0x1E400] =	vst v63  }
0xba: {  	s24 =	sor.u32 $0xC00, s7;
	v3 =	vadd.s32 v1, v3  }
0xbb: {  	[tilespmem:s24], [sflag:s8] =	stream.indirect_vreg.gather [hbm4b:s5+s3], $0x80, v4, vm0, $0xb8;
	[tilespmem:$0x1E400] =	vst v63  }
0xbc: {  	s28 =	sor.u32 $0x1400, s7  }
0xbd: {  	[tilespmem:s28], [sflag:s8] =	stream.indirect_vreg.gather [hbm4b:s6+s3], $0x80, v4, vm0, $0xb8;
	[tilespmem:$0x1E400] =	vst v63  }
0xbe: {  	s31 =	sor.u32 $0x1C00, s7  }
0xbf: {  	[tilespmem:s31], [sflag:s8] =	stream.indirect_vreg.gather [hbm4b:s1+s3], $0x80, v3, vm0, $0xb8;
	[tilespmem:$0x1E400] =	vst v63  }
0xc0: {  	s14 =	sadd.s32 $0x2400, s7  }
0xc1: {  	[tilespmem:s14], [sflag:s8] =	stream.indirect_vreg.gather [hbm4b:s5+s3], $0x80, v3, vm0, $0xb8;
	[tilespmem:$0x1E400] =	vst v63  }
0xc2: {  	s15 =	sadd.s32 $0x2C00, s7  }
0xc3: {  	[tilespmem:s15], [sflag:s8] =	stream.indirect_vreg.gather [hbm4b:s6+s3], $0x80, v3, vm0, $0xb8;
	[tilespmem:$0x1E400] =	vst v63  }
0xc4: {  	v3 =	vld [tilespmem:s18+$0x0];
	_ =	sdelay $0x4  }
0xc5: {  	v63 =	vshrl.u32 v3, $0x3  }
0xc6: {  	v4 =	vmul.u32 $0x30, v63  }
0xc7: {  	v3 =	vand.u32 $0x7, v3  }
0xc8: {  	v3 =	vor.u32 v3, v4  }
0xc9: {  	v4 =	vperm.xlane v3, v0;
	_ =	sdelay $0x1  }
0xca: {  	v4 =	vadd.s32 v1, v4;
	_ =	sdelay $0x3  }
0xcb: {  	s18 =	sadd.s32 $0x3400, s7;
	v3 =	vperm.xlane v3, v2  }
0xcc: {  	[tilespmem:s18], [sflag:s8] =	stream.indirect_vreg.gather [hbm4b:s1+s3], $0x80, v4, vm0, $0xb8;
	[tilespmem:$0x1E400] =	vst v63  }
0xcd: {  	s21 =	sadd.s32 $0x3C00, s7;
	v3 =	vadd.s32 v1, v3  }
0xce: {  	[tilespmem:s21], [sflag:s8] =	stream.indirect_vreg.gather [hbm4b:s5+s3], $0x80, v4, vm0, $0xb8;
	[tilespmem:$0x1E400] =	vst v63  }
0xcf: {  	s24 =	sadd.s32 $0x4400, s7  }
0xd0: {  	[tilespmem:s24], [sflag:s8] =	stream.indirect_vreg.gather [hbm4b:s6+s3], $0x80, v4, vm0, $0xb8;
	[tilespmem:$0x1E400] =	vst v63  }
0xd1: {  	s28 =	sadd.s32 $0x4C00, s7  }
0xd2: {  	[tilespmem:s28], [sflag:s8] =	stream.indirect_vreg.gather [hbm4b:s1+s3], $0x80, v3, vm0, $0xb8;
	[tilespmem:$0x1E400] =	vst v63  }
0xd3: {  	s31 =	sadd.s32 $0x5400, s7  }
0xd4: {  	[tilespmem:s31], [sflag:s8] =	stream.indirect_vreg.gather [hbm4b:s5+s3], $0x80, v3, vm0, $0xb8;
	[tilespmem:$0x1E400] =	vst v63  }
0xd5: {  	s7 =	sadd.s32 $0x5C00, s7  }
0xd6: {  	[tilespmem:s7], [sflag:s8] =	stream.indirect_vreg.gather [hbm4b:s6+s3], $0x80, v3, vm0, $0xb8;
	[tilespmem:$0x1E400] =	vst v63  }
0xd7: {  	_ =	swait.ge [sflag:s17], $0x6000  }
0xd8: {  	[sflag:s17] =	ssyncset.done $0x0  }
0xd9: {  	s15 =	simm.s32 $0xC400;
	s14 =	rddreg [dreg:$0x6];
	[sflag:s17] =	ssyncadd.s32 $0xFFFFA000  }
0xda: {  	[hbm4b:s14+s3] =	stream.linear.scatter [tilespmem:s15], [sflag:$0x8], $0x6000, $0x38;
	[tilespmem:$0x1E400] =	vst v63  }
0xdb: {  	_ =	swait.ge [sflag:s19], $0x6000  }
0xdc: {  	[sflag:s19] =	ssyncset.done $0x0  }
0xdd: {  	[sflag:s19] =	ssyncadd.s32 $0xFFFFA000  }
0xde: {  	_ =	swait.ge [sflag:s20], $0x6000  }
0xdf: {  	[sflag:s20] =	ssyncset.done $0x0  }
0xe0: {  	s18 =	simm.s32 $0x12400;
	[sflag:s20] =	ssyncadd.s32 $0xFFFFA000  }
0xe1: {  	[hbm4b:s9+s3] =	stream.linear.scatter [tilespmem:s18], [sflag:$0x9], $0x6000, $0x38;
	[tilespmem:$0x1E400] =	vst v63  }
0xe2: {  	_ =	swait.ge [sflag:s22], $0x6000  }
0xe3: {  	[sflag:s22] =	ssyncset.done $0x0  }
0xe4: {  	[sflag:s22] =	ssyncadd.s32 $0xFFFFA000  }
0xe5: {  	_ =	swait.ge [sflag:s23], $0x6000  }
0xe6: {  	[sflag:s23] =	ssyncset.done $0x0  }
0xe7: {  	s21 =	simm.s32 $0x18400;
	[sflag:s23] =	ssyncadd.s32 $0xFFFFA000  }
0xe8: {  	[hbm4b:s10+s3] =	stream.linear.scatter [tilespmem:s21], [sflag:$0xA], $0x6000, $0x38;
	[tilespmem:$0x1E400] =	vst v63  }
0xe9: {  	_ =	swait.ge [sflag:s25], $0x6000  }
0xea: {  	[sflag:s25] =	ssyncset.done $0x0  }
0xeb: {  	[sflag:s25] =	ssyncadd.s32 $0xFFFFA000  }
0xec: {  	_ =	swait.ge [sflag:s26], $0x6000  }
0xed: {  	[sflag:s26] =	ssyncset.done $0x0  }
0xee: {  	s24 =	simm.s32 $0x400;
	[sflag:s26] =	ssyncadd.s32 $0xFFFFA000  }
0xef: {  	[hbm4b:s11+s3] =	stream.linear.scatter [tilespmem:s24], [sflag:$0x6], $0x6000, $0x38;
	[tilespmem:$0x1E400] =	vst v63  }
0xf0: {  	_ =	swait.ge [sflag:s29], $0x6000  }
0xf1: {  	[sflag:s29] =	ssyncset.done $0x0  }
0xf2: {  	[sflag:s29] =	ssyncadd.s32 $0xFFFFA000  }
0xf3: {  	_ =	swait.ge [sflag:s30], $0x6000  }
0xf4: {  	[sflag:s30] =	ssyncset.done $0x0  }
0xf5: {  	s28 =	simm.s32 $0x6400;
	[sflag:s30] =	ssyncadd.s32 $0xFFFFA000  }
0xf6: {  	[hbm4b:s12+s3] =	stream.linear.scatter [tilespmem:s28], [sflag:$0x7], $0x6000, $0x38;
	[tilespmem:$0x1E400] =	vst v63  }
0xf7: {  	_ =	swait.ge [sflag:s0], $0x6000  }
0xf8: {  	s2 =	sadd.s32 $0x1, s2;
	s31 =	rddreg [dreg:$0x5]  }
0xf9: {  	p0 =	sne.s32 s2, s31  }
.Ltmp2:
0xfa: {  	_ = 	snop;
	(pc) =	sbr.rel @p0 .LBB2_1-.Ltmp2, $3  }
0xfb: {  	_ =	sdelay $0x1  }
0xfc: {  	[sflag:s0] =	ssyncset.done $0x0  }
0xfd: {  	[sflag:s0] =	ssyncadd.s32 $0xFFFFA000  }
0xfe: {  	_ =	sfence.sel $0x180000  }
0xff: {  	[bflag:$0x0] =	sbarrier.arrive $0xFFFF  }
0x100: {  	_ =	strace $0x90000047  }
0x101: {  	s0 =	stileid.u32;
	[bflag:$0x2] =	sbarrier.arrive $0xFFFF  }
0x102: {  	p0 =	sne.s32 s0, $0x0;
	s0 =	rddreg [dreg:$0x3]  }
0x103: {  	s0 =	sadd.s32 @!p0 $0x100000, s0  }
0x104: {  	[sflag:s0] =	ssyncadd.tile.s32 @!p0 $0x1;
	_ =	shalt  }
.Lfunc_end2:
_tile_overlayer_lowered:
.L_overlay_start_2:
0x105: {  	(tag) =	ssettag $0x2  }
0x106: {  	s0 =	rddreg [dreg:$0x0];
	s2 =	stileid.u32  }
0x107: {  	s1 =	rddreg [dreg:$0x1];
	p0 =	sne.s32 s2, $0x0  }
0x108: {  	s3 =	rddreg [dreg:$0x2];
	[bflag:$0x3] =	sbarrier.arrive $0xFFFF;
	s2 =	simm.s32 @!p0 $0x1C0B  }
0x109: {  	[timem:s3], [sflag:s2] =	dma.local @!p0 [hbm:s0], s1  }
0x10a: {  	s0 =	simm.s32 @!p0 $0xB  }
0x10b: {  	_ =	swait.ge @!p0 [sflag:s0], s1  }
0x10c: {  	s1 =	ssub.s32 @!p0 $0x0, s1;
	[sflag:s0] =	ssyncset.done @!p0 $0x0  }
0x10d: {  	[sflag:s0] =	ssyncadd.s32 @!p0 s1  }
0x10e: {  	[bflag:$0x3] =	sbarrier.arrive $0xFFFF  }
0x10f: {  	_ =	shalt  }

</sc_bundles>
